<compile_context>
chip_gen: v7x
topology: tpu7x:2x2x1
jax: 0.10.2.dev20260603
libtpu: 0.0.44.dev20260713+nightly
codegen_flags: <defaults>
</compile_context>

<pallas_src>
import functools

import jax
import jax.numpy as jnp
from jax import lax
from jax.experimental import pallas as pl
from jax.experimental.pallas import tpu as pltpu
from jax.experimental.pallas import tpu_sc as plsc

CAP = 2000
D = 4096
B = 512
NOISE_SCALE = 0.15

NC = 2
NS = 16
NW = NC * NS
BPW = B // NW
RCH = 4
NCHUNK = BPW // RCH
SBLK = 5
RBLK = 256
NRB = B // RBLK


def _sc_body(buf_hbm, idx_hbm, tmp_hbm, *scratch):
    idx_v = scratch[0]
    rows = scratch[1:1 + NCHUNK]
    gsem = scratch[1 + NCHUNK:1 + 2 * NCHUNK]
    osem = scratch[1 + 2 * NCHUNK:1 + 3 * NCHUNK]

    cid = lax.axis_index("c")
    sid = lax.axis_index("s")
    wid = sid * NC + cid
    base = wid * BPW
    pltpu.sync_copy(idx_hbm.at[wid], idx_v)

    gh = [None] * NCHUNK
    for k in range(NCHUNK):
        gh[k] = pltpu.async_copy(buf_hbm.at[idx_v.at[k]], rows[k], gsem[k])
    oh = [None] * NCHUNK
    for k in range(NCHUNK):
        gh[k].wait()
        oh[k] = pltpu.async_copy(
            rows[k], tmp_hbm.at[pl.ds(base + k * RCH, RCH)], osem[k])
    for k in range(NCHUNK):
        oh[k].wait()


def _stats_body(buf_ref, mean_ref, rstd_ref, s1_ref, s2_ref):
    i = pl.program_id(0)
    x = buf_ref[...]
    ps1 = jnp.sum(x, axis=0)
    ps2 = jnp.sum(x * x, axis=0)

    @pl.when(i == 0)
    def _():
        s1_ref[...] = ps1
        s2_ref[...] = ps2

    @pl.when(i > 0)
    def _():
        s1_ref[...] += ps1
        s2_ref[...] += ps2

    @pl.when(i == SBLK - 1)
    def _():
        n = jnp.float32(CAP)
        s1 = s1_ref[...]
        s2 = s2_ref[...]
        m = s1 / n
        var = (s2 - s1 * s1 / n) / (n - 1.0)
        std = jnp.maximum(jnp.sqrt(var), 1e-6)
        mean_ref[...] = m
        rstd_ref[...] = 1.0 / std


def _norm_body(tmp_ref, noise_ref, mean_ref, rstd_ref, out_ref):
    out_ref[...] = (
        tmp_ref[...] + noise_ref[...] * NOISE_SCALE - mean_ref[...][None, :]
    ) * rstd_ref[...][None, :]


def kernel(buffer, indices, noise):
    idx3 = jnp.reshape(indices, (NW, NCHUNK, RCH))

    mesh = plsc.VectorSubcoreMesh(core_axis_name="c", subcore_axis_name="s")
    scratch = [pltpu.VMEM((NCHUNK, RCH), jnp.int32)]
    scratch += [pltpu.VMEM((RCH, D), jnp.float32) for _ in range(NCHUNK)]
    scratch += [pltpu.SemaphoreType.DMA for _ in range(2 * NCHUNK)]
    tmp = pl.kernel(
        _sc_body,
        mesh=mesh,
        out_type=jax.ShapeDtypeStruct((B, D), jnp.float32),
        scratch_types=scratch,
    )(buffer, idx3)

    mean, rstd = pl.pallas_call(
        _stats_body,
        grid=(SBLK,),
        in_specs=[pl.BlockSpec((CAP // SBLK, D), lambda i: (i, 0))],
        out_specs=[pl.BlockSpec((D,), lambda i: (0,)),
                   pl.BlockSpec((D,), lambda i: (0,))],
        out_shape=[jax.ShapeDtypeStruct((D,), jnp.float32),
                   jax.ShapeDtypeStruct((D,), jnp.float32)],
        scratch_shapes=[pltpu.VMEM((D,), jnp.float32),
                        pltpu.VMEM((D,), jnp.float32)],
    )(buffer)

    return pl.pallas_call(
        _norm_body,
        grid=(NRB,),
        in_specs=[pl.BlockSpec((RBLK, D), lambda i: (i, 0)),
                  pl.BlockSpec((RBLK, D), lambda i: (i, 0)),
                  pl.BlockSpec((D,), lambda i: (0,)),
                  pl.BlockSpec((D,), lambda i: (0,))],
        out_specs=pl.BlockSpec((RBLK, D), lambda i: (i, 0)),
        out_shape=jax.ShapeDtypeStruct((B, D), jnp.float32),
    )(tmp, noise, mean, rstd)

# --- scband reference (transcript-rebuilt; emitter-appended) ---
"""Pipeline reference for scband-replay-memory-18769007084026 (READ-ONLY COPY).

The authoritative reference and input builder live on the scoring server;
editing this copy changes nothing except your own understanding.
"""

import jax, jax.numpy as jnp
import numpy as np

CAPACITY = 2000
D = 4096
BATCH = 512
NOISE_SCALE = 0.15

def setup_inputs(seed: int = 0) -> dict:
    key = jax.random.key(seed)
    k1, k2, k3 = jax.random.split(key, 3)
    buffer = jax.random.normal(k1, (CAPACITY, D), dtype=jnp.float32)
    indices = jax.random.randint(k2, (BATCH,), 0, CAPACITY, dtype=jnp.int32)
    noise = jax.random.normal(k3, (BATCH, D), dtype=jnp.float32)
    return {"buffer": buffer, "indices": indices, "noise": noise}

def reference(buffer, indices, noise):
    # replay(): gather sampled patterns from the replay buffer
    patterns = jnp.take(buffer, indices, axis=0)
    # buffer statistics over the whole memory (len(buffer) > batch_size branch)
    mean_buf = jnp.mean(buffer, axis=0)
    # torch.std defaults to unbiased (ddof=1); clamp(min=1e-6)
    std_buf = jnp.clip(jnp.std(buffer, axis=0, ddof=1), 1e-6, None)
    # noise is pre-sampled standard normal, scaled by noise_scale (randn_like * scale)
    replayed = (patterns + noise * NOISE_SCALE - mean_buf) / std_buf
    return replayed

if __name__ == "__main__":
    import jax
    _d = setup_inputs()
    print(jax.jit(kernel)(*tuple(_d.values())))

</pallas_src>

<mosaic_0001>
#map = affine_map<(d0, d1) -> (0, 0)>
#map1 = affine_map<(d0, d1) -> (0, 0, 0)>
module attributes {stable_mosaic.version = 14 : i64} {
  func.func @_sc_body(%arg0: i32, %arg1: i32, %arg2: memref<2000x4096xf32, #tpu.memory_space<hbm>>, %arg3: memref<32x4x4xi32, #tpu.memory_space<hbm>>, %arg4: memref<512x4096xf32, #tpu.memory_space<hbm>>, %arg5: memref<4x4xi32, #tpu.memory_space<vmem>>, %arg6: memref<4x4096xf32, #tpu.memory_space<vmem>>, %arg7: memref<4x4096xf32, #tpu.memory_space<vmem>>, %arg8: memref<4x4096xf32, #tpu.memory_space<vmem>>, %arg9: memref<4x4096xf32, #tpu.memory_space<vmem>>, %arg10: memref<!tpu.dma_semaphore, #tpu.memory_space<semaphore_mem>>, %arg11: memref<!tpu.dma_semaphore, #tpu.memory_space<semaphore_mem>>, %arg12: memref<!tpu.dma_semaphore, #tpu.memory_space<semaphore_mem>>, %arg13: memref<!tpu.dma_semaphore, #tpu.memory_space<semaphore_mem>>, %arg14: memref<!tpu.dma_semaphore, #tpu.memory_space<semaphore_mem>>, %arg15: memref<!tpu.dma_semaphore, #tpu.memory_space<semaphore_mem>>, %arg16: memref<!tpu.dma_semaphore, #tpu.memory_space<semaphore_mem>>, %arg17: memref<!tpu.dma_semaphore, #tpu.memory_space<semaphore_mem>>) attributes {dimension_semantics = [#tpu.dimension_semantics<core_parallel>, #tpu.dimension_semantics<subcore_parallel>], iteration_bounds = array<i64: 2, 16>, scalar_prefetch = 0 : i64, scratch_operands = 13 : i64, tpu.core_type = #tpu.core_type<sc_vector_subcore>, window_params = [{transform_indices = #map}, {transform_indices = #map1}, {transform_indices = #map}]} {
    %mul3A = arith.constant 2 : i32
    %mul3A_0 = arith.muli %arg1, %mul3A : i32
    %add3A = arith.addi %mul3A_0, %arg0 : i32
    %mul3A_1 = arith.constant 16 : i32
    %mul3A_2 = arith.muli %add3A, %mul3A_1 : i32
    "tpu.region"() ({
      %run_scoped3A = tpu.sem_alloc : memref<!tpu.dma_semaphore, #tpu.memory_space<semaphore_mem>>
      %dma_start3A_97 = arith.constant 0 : i32
      %dma_start3A_98 = arith.constant 0 : i32
      %dma_start3A_99 = tpu.memref_slice %arg3[%add3A, %dma_start3A_97, %dma_start3A_98] : memref<32x4x4xi32, #tpu.memory_space<hbm>> -> memref<1x4x4xi32, #tpu.memory_space<hbm>>
      %dma_start3A_100 = tpu.memref_squeeze %dma_start3A_99 : memref<1x4x4xi32, #tpu.memory_space<hbm>> -> memref<4x4xi32, #tpu.memory_space<hbm>>
      %dma_start3A_101 = arith.constant 0 : i32
      %dma_start3A_102 = arith.constant 0 : i32
      %dma_start3A_103 = tpu.memref_slice %arg3[%add3A, %dma_start3A_101, %dma_start3A_102] : memref<32x4x4xi32, #tpu.memory_space<hbm>> -> memref<1x4x4xi32, #tpu.memory_space<hbm>>
      %dma_start3A_104 = tpu.memref_squeeze %dma_start3A_103 : memref<1x4x4xi32, #tpu.memory_space<hbm>> -> memref<4x4xi32, #tpu.memory_space<hbm>>
      tpu.enqueue_dma source(%dma_start3A_104 : memref<4x4xi32, #tpu.memory_space<hbm>>) target(%arg5 : memref<4x4xi32, #tpu.memory_space<vmem>>) target_semaphore(%run_scoped3A : memref<!tpu.dma_semaphore, #tpu.memory_space<semaphore_mem>>)
      %dma_wait3A_105 = arith.constant 0 : i32
      %dma_wait3A_106 = arith.constant 0 : i32
      %dma_wait3A_107 = tpu.memref_slice %arg3[%add3A, %dma_wait3A_105, %dma_wait3A_106] : memref<32x4x4xi32, #tpu.memory_space<hbm>> -> memref<1x4x4xi32, #tpu.memory_space<hbm>>
      %dma_wait3A_108 = tpu.memref_squeeze %dma_wait3A_107 : memref<1x4x4xi32, #tpu.memory_space<hbm>> -> memref<4x4xi32, #tpu.memory_space<hbm>>
      %dma_wait3A_109 = arith.constant 0 : i32
      %dma_wait3A_110 = arith.constant 0 : i32
      %dma_wait3A_111 = tpu.memref_slice %arg3[%add3A, %dma_wait3A_109, %dma_wait3A_110] : memref<32x4x4xi32, #tpu.memory_space<hbm>> -> memref<1x4x4xi32, #tpu.memory_space<hbm>>
      %dma_wait3A_112 = tpu.memref_squeeze %dma_wait3A_111 : memref<1x4x4xi32, #tpu.memory_space<hbm>> -> memref<4x4xi32, #tpu.memory_space<hbm>>
      tpu.wait_dma2 semaphore(%run_scoped3A : memref<!tpu.dma_semaphore, #tpu.memory_space<semaphore_mem>>) src(%dma_wait3A_112 : memref<4x4xi32, #tpu.memory_space<hbm>>) dst(%arg5 : memref<4x4xi32, #tpu.memory_space<vmem>>)
      tpu.yield
    }) : () -> ()
    %dma_start3A = arith.constant 0 : i32
    %dma_start3A_3 = arith.constant 0 : i32
    %dma_start3A_4 = tpu.memref_slice %arg5[%dma_start3A, %dma_start3A_3] : memref<4x4xi32, #tpu.memory_space<vmem>> -> memref<1x4xi32, #tpu.memory_space<vmem>>
    %dma_start3A_5 = tpu.memref_squeeze %dma_start3A_4 : memref<1x4xi32, #tpu.memory_space<vmem>> -> memref<4xi32, #tpu.memory_space<vmem>>
    %dma_start3A_6 = arith.constant 0 : i32
    %dma_start3A_7 = arith.constant 0 : i32
    %dma_start3A_8 = tpu.memref_slice %arg2[%dma_start3A_6, %dma_start3A_7] : memref<2000x4096xf32, #tpu.memory_space<hbm>> -> memref<2000x4096xf32, #tpu.memory_space<hbm>>
    tpu.enqueue_indirect_dma source(%dma_start3A_8 : memref<2000x4096xf32, #tpu.memory_space<hbm>>) target(%arg6 : memref<4x4096xf32, #tpu.memory_space<vmem>>) offsets(%dma_start3A_5 : memref<4xi32, #tpu.memory_space<vmem>>) semaphore(%arg10 : memref<!tpu.dma_semaphore, #tpu.memory_space<semaphore_mem>>)
    %dma_start3A_9 = arith.constant 1 : i32
    %dma_start3A_10 = arith.constant 0 : i32
    %dma_start3A_11 = tpu.memref_slice %arg5[%dma_start3A_9, %dma_start3A_10] : memref<4x4xi32, #tpu.memory_space<vmem>> -> memref<1x4xi32, #tpu.memory_space<vmem>>
    %dma_start3A_12 = tpu.memref_squeeze %dma_start3A_11 : memref<1x4xi32, #tpu.memory_space<vmem>> -> memref<4xi32, #tpu.memory_space<vmem>>
    %dma_start3A_13 = arith.constant 0 : i32
    %dma_start3A_14 = arith.constant 0 : i32
    %dma_start3A_15 = tpu.memref_slice %arg2[%dma_start3A_13, %dma_start3A_14] : memref<2000x4096xf32, #tpu.memory_space<hbm>> -> memref<2000x4096xf32, #tpu.memory_space<hbm>>
    tpu.enqueue_indirect_dma source(%dma_start3A_15 : memref<2000x4096xf32, #tpu.memory_space<hbm>>) target(%arg7 : memref<4x4096xf32, #tpu.memory_space<vmem>>) offsets(%dma_start3A_12 : memref<4xi32, #tpu.memory_space<vmem>>) semaphore(%arg11 : memref<!tpu.dma_semaphore, #tpu.memory_space<semaphore_mem>>)
    %dma_start3A_16 = arith.constant 2 : i32
    %dma_start3A_17 = arith.constant 0 : i32
    %dma_start3A_18 = tpu.memref_slice %arg5[%dma_start3A_16, %dma_start3A_17] : memref<4x4xi32, #tpu.memory_space<vmem>> -> memref<1x4xi32, #tpu.memory_space<vmem>>
    %dma_start3A_19 = tpu.memref_squeeze %dma_start3A_18 : memref<1x4xi32, #tpu.memory_space<vmem>> -> memref<4xi32, #tpu.memory_space<vmem>>
    %dma_start3A_20 = arith.constant 0 : i32
    %dma_start3A_21 = arith.constant 0 : i32
    %dma_start3A_22 = tpu.memref_slice %arg2[%dma_start3A_20, %dma_start3A_21] : memref<2000x4096xf32, #tpu.memory_space<hbm>> -> memref<2000x4096xf32, #tpu.memory_space<hbm>>
    tpu.enqueue_indirect_dma source(%dma_start3A_22 : memref<2000x4096xf32, #tpu.memory_space<hbm>>) target(%arg8 : memref<4x4096xf32, #tpu.memory_space<vmem>>) offsets(%dma_start3A_19 : memref<4xi32, #tpu.memory_space<vmem>>) semaphore(%arg12 : memref<!tpu.dma_semaphore, #tpu.memory_space<semaphore_mem>>)
    %dma_start3A_23 = arith.constant 3 : i32
    %dma_start3A_24 = arith.constant 0 : i32
    %dma_start3A_25 = tpu.memref_slice %arg5[%dma_start3A_23, %dma_start3A_24] : memref<4x4xi32, #tpu.memory_space<vmem>> -> memref<1x4xi32, #tpu.memory_space<vmem>>
    %dma_start3A_26 = tpu.memref_squeeze %dma_start3A_25 : memref<1x4xi32, #tpu.memory_space<vmem>> -> memref<4xi32, #tpu.memory_space<vmem>>
    %dma_start3A_27 = arith.constant 0 : i32
    %dma_start3A_28 = arith.constant 0 : i32
    %dma_start3A_29 = tpu.memref_slice %arg2[%dma_start3A_27, %dma_start3A_28] : memref<2000x4096xf32, #tpu.memory_space<hbm>> -> memref<2000x4096xf32, #tpu.memory_space<hbm>>
    tpu.enqueue_indirect_dma source(%dma_start3A_29 : memref<2000x4096xf32, #tpu.memory_space<hbm>>) target(%arg9 : memref<4x4096xf32, #tpu.memory_space<vmem>>) offsets(%dma_start3A_26 : memref<4xi32, #tpu.memory_space<vmem>>) semaphore(%arg13 : memref<!tpu.dma_semaphore, #tpu.memory_space<semaphore_mem>>)
    %dma_wait3A = arith.constant 0 : i32
    %dma_wait3A_30 = arith.constant 0 : i32
    %dma_wait3A_31 = tpu.memref_slice %arg5[%dma_wait3A, %dma_wait3A_30] : memref<4x4xi32, #tpu.memory_space<vmem>> -> memref<1x4xi32, #tpu.memory_space<vmem>>
    %dma_wait3A_32 = tpu.memref_squeeze %dma_wait3A_31 : memref<1x4xi32, #tpu.memory_space<vmem>> -> memref<4xi32, #tpu.memory_space<vmem>>
    %dma_wait3A_33 = arith.constant 0 : i32
    %dma_wait3A_34 = arith.constant 0 : i32
    %dma_wait3A_35 = tpu.memref_slice %arg2[%dma_wait3A_33, %dma_wait3A_34] : memref<2000x4096xf32, #tpu.memory_space<hbm>> -> memref<2000x4096xf32, #tpu.memory_space<hbm>>
    tpu.wait_indirect_dma semaphore(%arg10 : memref<!tpu.dma_semaphore, #tpu.memory_space<semaphore_mem>>) src(%dma_wait3A_35 : memref<2000x4096xf32, #tpu.memory_space<hbm>>) dst(%arg6 : memref<4x4096xf32, #tpu.memory_space<vmem>>)
    %add3A_36 = arith.constant 0 : i32
    %add3A_37 = arith.addi %mul3A_2, %add3A_36 : i32
    %dma_start3A_38 = arith.constant 0 : i32
    %dma_start3A_39 = tpu.memref_slice %arg4[%add3A_37, %dma_start3A_38] : memref<512x4096xf32, #tpu.memory_space<hbm>> -> memref<4x4096xf32, #tpu.memory_space<hbm>>
    %dma_start3A_40 = arith.constant 0 : i32
    %dma_start3A_41 = tpu.memref_slice %arg4[%add3A_37, %dma_start3A_40] : memref<512x4096xf32, #tpu.memory_space<hbm>> -> memref<4x4096xf32, #tpu.memory_space<hbm>>
    tpu.enqueue_dma source(%arg6 : memref<4x4096xf32, #tpu.memory_space<vmem>>) target(%dma_start3A_41 : memref<4x4096xf32, #tpu.memory_space<hbm>>) target_semaphore(%arg14 : memref<!tpu.dma_semaphore, #tpu.memory_space<semaphore_mem>>)
    %dma_wait3A_42 = arith.constant 1 : i32
    %dma_wait3A_43 = arith.constant 0 : i32
    %dma_wait3A_44 = tpu.memref_slice %arg5[%dma_wait3A_42, %dma_wait3A_43] : memref<4x4xi32, #tpu.memory_space<vmem>> -> memref<1x4xi32, #tpu.memory_space<vmem>>
    %dma_wait3A_45 = tpu.memref_squeeze %dma_wait3A_44 : memref<1x4xi32, #tpu.memory_space<vmem>> -> memref<4xi32, #tpu.memory_space<vmem>>
    %dma_wait3A_46 = arith.constant 0 : i32
    %dma_wait3A_47 = arith.constant 0 : i32
    %dma_wait3A_48 = tpu.memref_slice %arg2[%dma_wait3A_46, %dma_wait3A_47] : memref<2000x4096xf32, #tpu.memory_space<hbm>> -> memref<2000x4096xf32, #tpu.memory_space<hbm>>
    tpu.wait_indirect_dma semaphore(%arg11 : memref<!tpu.dma_semaphore, #tpu.memory_space<semaphore_mem>>) src(%dma_wait3A_48 : memref<2000x4096xf32, #tpu.memory_space<hbm>>) dst(%arg7 : memref<4x4096xf32, #tpu.memory_space<vmem>>)
    %add3A_49 = arith.constant 4 : i32
    %add3A_50 = arith.addi %mul3A_2, %add3A_49 : i32
    %dma_start3A_51 = arith.constant 0 : i32
    %dma_start3A_52 = tpu.memref_slice %arg4[%add3A_50, %dma_start3A_51] : memref<512x4096xf32, #tpu.memory_space<hbm>> -> memref<4x4096xf32, #tpu.memory_space<hbm>>
    %dma_start3A_53 = arith.constant 0 : i32
    %dma_start3A_54 = tpu.memref_slice %arg4[%add3A_50, %dma_start3A_53] : memref<512x4096xf32, #tpu.memory_space<hbm>> -> memref<4x4096xf32, #tpu.memory_space<hbm>>
    tpu.enqueue_dma source(%arg7 : memref<4x4096xf32, #tpu.memory_space<vmem>>) target(%dma_start3A_54 : memref<4x4096xf32, #tpu.memory_space<hbm>>) target_semaphore(%arg15 : memref<!tpu.dma_semaphore, #tpu.memory_space<semaphore_mem>>)
    %dma_wait3A_55 = arith.constant 2 : i32
    %dma_wait3A_56 = arith.constant 0 : i32
    %dma_wait3A_57 = tpu.memref_slice %arg5[%dma_wait3A_55, %dma_wait3A_56] : memref<4x4xi32, #tpu.memory_space<vmem>> -> memref<1x4xi32, #tpu.memory_space<vmem>>
    %dma_wait3A_58 = tpu.memref_squeeze %dma_wait3A_57 : memref<1x4xi32, #tpu.memory_space<vmem>> -> memref<4xi32, #tpu.memory_space<vmem>>
    %dma_wait3A_59 = arith.constant 0 : i32
    %dma_wait3A_60 = arith.constant 0 : i32
    %dma_wait3A_61 = tpu.memref_slice %arg2[%dma_wait3A_59, %dma_wait3A_60] : memref<2000x4096xf32, #tpu.memory_space<hbm>> -> memref<2000x4096xf32, #tpu.memory_space<hbm>>
    tpu.wait_indirect_dma semaphore(%arg12 : memref<!tpu.dma_semaphore, #tpu.memory_space<semaphore_mem>>) src(%dma_wait3A_61 : memref<2000x4096xf32, #tpu.memory_space<hbm>>) dst(%arg8 : memref<4x4096xf32, #tpu.memory_space<vmem>>)
    %add3A_62 = arith.constant 8 : i32
    %add3A_63 = arith.addi %mul3A_2, %add3A_62 : i32
    %dma_start3A_64 = arith.constant 0 : i32
    %dma_start3A_65 = tpu.memref_slice %arg4[%add3A_63, %dma_start3A_64] : memref<512x4096xf32, #tpu.memory_space<hbm>> -> memref<4x4096xf32, #tpu.memory_space<hbm>>
    %dma_start3A_66 = arith.constant 0 : i32
    %dma_start3A_67 = tpu.memref_slice %arg4[%add3A_63, %dma_start3A_66] : memref<512x4096xf32, #tpu.memory_space<hbm>> -> memref<4x4096xf32, #tpu.memory_space<hbm>>
    tpu.enqueue_dma source(%arg8 : memref<4x4096xf32, #tpu.memory_space<vmem>>) target(%dma_start3A_67 : memref<4x4096xf32, #tpu.memory_space<hbm>>) target_semaphore(%arg16 : memref<!tpu.dma_semaphore, #tpu.memory_space<semaphore_mem>>)
    %dma_wait3A_68 = arith.constant 3 : i32
    %dma_wait3A_69 = arith.constant 0 : i32
    %dma_wait3A_70 = tpu.memref_slice %arg5[%dma_wait3A_68, %dma_wait3A_69] : memref<4x4xi32, #tpu.memory_space<vmem>> -> memref<1x4xi32, #tpu.memory_space<vmem>>
    %dma_wait3A_71 = tpu.memref_squeeze %dma_wait3A_70 : memref<1x4xi32, #tpu.memory_space<vmem>> -> memref<4xi32, #tpu.memory_space<vmem>>
    %dma_wait3A_72 = arith.constant 0 : i32
    %dma_wait3A_73 = arith.constant 0 : i32
    %dma_wait3A_74 = tpu.memref_slice %arg2[%dma_wait3A_72, %dma_wait3A_73] : memref<2000x4096xf32, #tpu.memory_space<hbm>> -> memref<2000x4096xf32, #tpu.memory_space<hbm>>
    tpu.wait_indirect_dma semaphore(%arg13 : memref<!tpu.dma_semaphore, #tpu.memory_space<semaphore_mem>>) src(%dma_wait3A_74 : memref<2000x4096xf32, #tpu.memory_space<hbm>>) dst(%arg9 : memref<4x4096xf32, #tpu.memory_space<vmem>>)
    %add3A_75 = arith.constant 12 : i32
    %add3A_76 = arith.addi %mul3A_2, %add3A_75 : i32
    %dma_start3A_77 = arith.constant 0 : i32
    %dma_start3A_78 = tpu.memref_slice %arg4[%add3A_76, %dma_start3A_77] : memref<512x4096xf32, #tpu.memory_space<hbm>> -> memref<4x4096xf32, #tpu.memory_space<hbm>>
    %dma_start3A_79 = arith.constant 0 : i32
    %dma_start3A_80 = tpu.memref_slice %arg4[%add3A_76, %dma_start3A_79] : memref<512x4096xf32, #tpu.memory_space<hbm>> -> memref<4x4096xf32, #tpu.memory_space<hbm>>
    tpu.enqueue_dma source(%arg9 : memref<4x4096xf32, #tpu.memory_space<vmem>>) target(%dma_start3A_80 : memref<4x4096xf32, #tpu.memory_space<hbm>>) target_semaphore(%arg17 : memref<!tpu.dma_semaphore, #tpu.memory_space<semaphore_mem>>)
    %dma_wait3A_81 = arith.constant 0 : i32
    %dma_wait3A_82 = tpu.memref_slice %arg4[%add3A_37, %dma_wait3A_81] : memref<512x4096xf32, #tpu.memory_space<hbm>> -> memref<4x4096xf32, #tpu.memory_space<hbm>>
    %dma_wait3A_83 = arith.constant 0 : i32
    %dma_wait3A_84 = tpu.memref_slice %arg4[%add3A_37, %dma_wait3A_83] : memref<512x4096xf32, #tpu.memory_space<hbm>> -> memref<4x4096xf32, #tpu.memory_space<hbm>>
    tpu.wait_dma2 semaphore(%arg14 : memref<!tpu.dma_semaphore, #tpu.memory_space<semaphore_mem>>) src(%arg6 : memref<4x4096xf32, #tpu.memory_space<vmem>>) dst(%dma_wait3A_84 : memref<4x4096xf32, #tpu.memory_space<hbm>>)
    %dma_wait3A_85 = arith.constant 0 : i32
    %dma_wait3A_86 = tpu.memref_slice %arg4[%add3A_50, %dma_wait3A_85] : memref<512x4096xf32, #tpu.memory_space<hbm>> -> memref<4x4096xf32, #tpu.memory_space<hbm>>
    %dma_wait3A_87 = arith.constant 0 : i32
    %dma_wait3A_88 = tpu.memref_slice %arg4[%add3A_50, %dma_wait3A_87] : memref<512x4096xf32, #tpu.memory_space<hbm>> -> memref<4x4096xf32, #tpu.memory_space<hbm>>
    tpu.wait_dma2 semaphore(%arg15 : memref<!tpu.dma_semaphore, #tpu.memory_space<semaphore_mem>>) src(%arg7 : memref<4x4096xf32, #tpu.memory_space<vmem>>) dst(%dma_wait3A_88 : memref<4x4096xf32, #tpu.memory_space<hbm>>)
    %dma_wait3A_89 = arith.constant 0 : i32
    %dma_wait3A_90 = tpu.memref_slice %arg4[%add3A_63, %dma_wait3A_89] : memref<512x4096xf32, #tpu.memory_space<hbm>> -> memref<4x4096xf32, #tpu.memory_space<hbm>>
    %dma_wait3A_91 = arith.constant 0 : i32
    %dma_wait3A_92 = tpu.memref_slice %arg4[%add3A_63, %dma_wait3A_91] : memref<512x4096xf32, #tpu.memory_space<hbm>> -> memref<4x4096xf32, #tpu.memory_space<hbm>>
    tpu.wait_dma2 semaphore(%arg16 : memref<!tpu.dma_semaphore, #tpu.memory_space<semaphore_mem>>) src(%arg8 : memref<4x4096xf32, #tpu.memory_space<vmem>>) dst(%dma_wait3A_92 : memref<4x4096xf32, #tpu.memory_space<hbm>>)
    %dma_wait3A_93 = arith.constant 0 : i32
    %dma_wait3A_94 = tpu.memref_slice %arg4[%add3A_76, %dma_wait3A_93] : memref<512x4096xf32, #tpu.memory_space<hbm>> -> memref<4x4096xf32, #tpu.memory_space<hbm>>
    %dma_wait3A_95 = arith.constant 0 : i32
    %dma_wait3A_96 = tpu.memref_slice %arg4[%add3A_76, %dma_wait3A_95] : memref<512x4096xf32, #tpu.memory_space<hbm>> -> memref<4x4096xf32, #tpu.memory_space<hbm>>
    tpu.wait_dma2 semaphore(%arg17 : memref<!tpu.dma_semaphore, #tpu.memory_space<semaphore_mem>>) src(%arg9 : memref<4x4096xf32, #tpu.memory_space<vmem>>) dst(%dma_wait3A_96 : memref<4x4096xf32, #tpu.memory_space<hbm>>)
    return
  }
}

module attributes {stable_mosaic.version = 14 : i64} {
  func.func @_stats_body(%arg0: i32, %arg1: memref<400x4096xf32, #tpu.memory_space<vmem>>, %arg2: memref<4096xf32, #tpu.memory_space<vmem>>, %arg3: memref<4096xf32, #tpu.memory_space<vmem>>, %arg4: memref<4096xf32, #tpu.memory_space<vmem>>, %arg5: memref<4096xf32, #tpu.memory_space<vmem>>) attributes {dimension_semantics = [#tpu.dimension_semantics<arbitrary>], iteration_bounds = array<i64: 5>, scalar_prefetch = 0 : i64, scratch_operands = 2 : i64, tpu.core_type = #tpu.core_type<tc>, window_params = [{transform_indices = @transform_0, window_bounds = array<i64: 400, 4096>}, {pipeline_mode = #tpu.pipeline_mode<synchronous>, transform_indices = @transform_1, window_bounds = array<i64: 4096>}, {pipeline_mode = #tpu.pipeline_mode<synchronous>, transform_indices = @transform_2, window_bounds = array<i64: 4096>}]} {
    %get3A = arith.constant 0 : index
    %get3A_0 = arith.constant 0 : index
    %get3A_1 = vector.load %arg1[%get3A, %get3A_0] : memref<400x4096xf32, #tpu.memory_space<vmem>>, vector<400x4096xf32>
    %reduce_sum3A = arith.constant dense<0.000000e+00> : vector<4096xf32>
    %reduce_sum3A_2 = vector.multi_reduction <add>, %get3A_1, %reduce_sum3A [0] : vector<400x4096xf32> to vector<4096xf32>
    %mul3A = arith.mulf %get3A_1, %get3A_1 : vector<400x4096xf32>
    %reduce_sum3A_3 = arith.constant dense<0.000000e+00> : vector<4096xf32>
    %reduce_sum3A_4 = vector.multi_reduction <add>, %mul3A, %reduce_sum3A_3 [0] : vector<400x4096xf32> to vector<4096xf32>
    %eq3A = arith.constant 0 : i32
    %eq3A_5 = arith.cmpi eq, %arg0, %eq3A : i32
    %convert_element_type3A = arith.extui %eq3A_5 : i1 to i32
    %cond3A = arith.constant 0 : i32
    %cond3A_6 = arith.cmpi ne, %convert_element_type3A, %cond3A : i32
    scf.if %cond3A_6 {
      %swap3A = arith.constant 0 : index
      %swap3A_16 = vector.load %arg4[%swap3A] : memref<4096xf32, #tpu.memory_space<vmem>>, vector<4096xf32>
      tpu.vector_store %arg4[%swap3A], %reduce_sum3A_2 {strides = array<i32>} : memref<4096xf32, #tpu.memory_space<vmem>>, vector<4096xf32>,
      %swap3A_17 = arith.constant 0 : index
      %swap3A_18 = vector.load %arg5[%swap3A_17] : memref<4096xf32, #tpu.memory_space<vmem>>, vector<4096xf32>
      tpu.vector_store %arg5[%swap3A_17], %reduce_sum3A_4 {strides = array<i32>} : memref<4096xf32, #tpu.memory_space<vmem>>, vector<4096xf32>,
    } else {
    }
    %gt3A = arith.constant 0 : i32
    %gt3A_7 = arith.cmpi sgt, %arg0, %gt3A : i32
    %convert_element_type3A_8 = arith.extui %gt3A_7 : i1 to i32
    %cond3A_9 = arith.constant 0 : i32
    %cond3A_10 = arith.cmpi ne, %convert_element_type3A_8, %cond3A_9 : i32
    scf.if %cond3A_10 {
      %get3A_16 = arith.constant 0 : index
      %get3A_17 = vector.load %arg4[%get3A_16] : memref<4096xf32, #tpu.memory_space<vmem>>, vector<4096xf32>
      %add3A = arith.addf %get3A_17, %reduce_sum3A_2 : vector<4096xf32>
      %swap3A = arith.constant 0 : index
      %swap3A_18 = vector.load %arg4[%swap3A] : memref<4096xf32, #tpu.memory_space<vmem>>, vector<4096xf32>
      tpu.vector_store %arg4[%swap3A], %add3A {strides = array<i32>} : memref<4096xf32, #tpu.memory_space<vmem>>, vector<4096xf32>,
      %get3A_19 = arith.constant 0 : index
      %get3A_20 = vector.load %arg5[%get3A_19] : memref<4096xf32, #tpu.memory_space<vmem>>, vector<4096xf32>
      %add3A_21 = arith.addf %get3A_20, %reduce_sum3A_4 : vector<4096xf32>
      %swap3A_22 = arith.constant 0 : index
      %swap3A_23 = vector.load %arg5[%swap3A_22] : memref<4096xf32, #tpu.memory_space<vmem>>, vector<4096xf32>
      tpu.vector_store %arg5[%swap3A_22], %add3A_21 {strides = array<i32>} : memref<4096xf32, #tpu.memory_space<vmem>>, vector<4096xf32>,
    } else {
    }
    %eq3A_11 = arith.constant 4 : i32
    %eq3A_12 = arith.cmpi eq, %arg0, %eq3A_11 : i32
    %convert_element_type3A_13 = arith.extui %eq3A_12 : i1 to i32
    %cond3A_14 = arith.constant 0 : i32
    %cond3A_15 = arith.cmpi ne, %convert_element_type3A_13, %cond3A_14 : i32
    scf.if %cond3A_15 {
      %get3A_16 = arith.constant 0 : index
      %get3A_17 = vector.load %arg4[%get3A_16] : memref<4096xf32, #tpu.memory_space<vmem>>, vector<4096xf32>
      %get3A_18 = arith.constant 0 : index
      %get3A_19 = vector.load %arg5[%get3A_18] : memref<4096xf32, #tpu.memory_space<vmem>>, vector<4096xf32>
      %div3A = arith.constant 2.000000e+03 : f32
      %div3A_20 = vector.broadcast %div3A : f32 to vector<4096xf32>
      %div3A_21 = arith.divf %get3A_17, %div3A_20 : vector<4096xf32>
      %mul3A_22 = arith.mulf %get3A_17, %get3A_17 : vector<4096xf32>
      %div3A_23 = arith.constant 2.000000e+03 : f32
      %div3A_24 = vector.broadcast %div3A_23 : f32 to vector<4096xf32>
      %div3A_25 = arith.divf %mul3A_22, %div3A_24 : vector<4096xf32>
      %sub3A = arith.subf %get3A_19, %div3A_25 : vector<4096xf32>
      %sub3A_26 = arith.constant 2.000000e+03 : f32
      %sub3A_27 = arith.constant 1.000000e+00 : f32
      %sub3A_28 = arith.subf %sub3A_26, %sub3A_27 : f32
      %div3A_29 = vector.broadcast %sub3A_28 : f32 to vector<4096xf32>
      %div3A_30 = arith.divf %sub3A, %div3A_29 : vector<4096xf32>
      %sqrt3A = math.sqrt %div3A_30 : vector<4096xf32>
      %max3A = arith.constant 9.99999997E-7 : f32
      %max3A_31 = vector.broadcast %max3A : f32 to vector<4096xf32>
      %max3A_32 = arith.maximumf %sqrt3A, %max3A_31 : vector<4096xf32>
      %swap3A = arith.constant 0 : index
      %swap3A_33 = vector.load %arg2[%swap3A] : memref<4096xf32, #tpu.memory_space<vmem>>, vector<4096xf32>
      tpu.vector_store %arg2[%swap3A], %div3A_21 {strides = array<i32>} : memref<4096xf32, #tpu.memory_space<vmem>>, vector<4096xf32>,
      %div3A_34 = arith.constant 1.000000e+00 : f32
      %div3A_35 = vector.broadcast %div3A_34 : f32 to vector<4096xf32>
      %div3A_36 = arith.divf %div3A_35, %max3A_32 : vector<4096xf32>
      %swap3A_37 = arith.constant 0 : index
      %swap3A_38 = vector.load %arg3[%swap3A_37] : memref<4096xf32, #tpu.memory_space<vmem>>, vector<4096xf32>
      tpu.vector_store %arg3[%swap3A_37], %div3A_36 {strides = array<i32>} : memref<4096xf32, #tpu.memory_space<vmem>>, vector<4096xf32>,
    } else {
    }
    return
  }
  func.func @transform_0(%arg0: i32) -> (i32, i32) {
    %c0_i32 = arith.constant 0 : i32
    %c0_i32_0 = arith.constant 0 : i32
    return %arg0, %c0_i32 : i32, i32
  }
  func.func @transform_1(%arg0: i32) -> i32 {
    %c0_i32 = arith.constant 0 : i32
    %c0_i32_0 = arith.constant 0 : i32
    return %c0_i32 : i32
  }
  func.func @transform_2(%arg0: i32) -> i32 {
    %c0_i32 = arith.constant 0 : i32
    %c0_i32_0 = arith.constant 0 : i32
    return %c0_i32 : i32
  }
}

module attributes {stable_mosaic.version = 14 : i64} {
  func.func @_norm_body(%arg0: i32, %arg1: memref<256x4096xf32, #tpu.memory_space<vmem>>, %arg2: memref<256x4096xf32, #tpu.memory_space<vmem>>, %arg3: memref<4096xf32, #tpu.memory_space<vmem>>, %arg4: memref<4096xf32, #tpu.memory_space<vmem>>, %arg5: memref<256x4096xf32, #tpu.memory_space<vmem>>) attributes {dimension_semantics = [#tpu.dimension_semantics<arbitrary>], iteration_bounds = array<i64: 2>, scalar_prefetch = 0 : i64, scratch_operands = 0 : i64, tpu.core_type = #tpu.core_type<tc>, window_params = [{transform_indices = @transform_0, window_bounds = array<i64: 256, 4096>}, {transform_indices = @transform_1, window_bounds = array<i64: 256, 4096>}, {pipeline_mode = #tpu.pipeline_mode<synchronous>, transform_indices = @transform_2, window_bounds = array<i64: 4096>}, {pipeline_mode = #tpu.pipeline_mode<synchronous>, transform_indices = @transform_3, window_bounds = array<i64: 4096>}, {transform_indices = @transform_4, window_bounds = array<i64: 256, 4096>}]} {
    %get3A = arith.constant 0 : index
    %get3A_0 = arith.constant 0 : index
    %get3A_1 = vector.load %arg1[%get3A, %get3A_0] : memref<256x4096xf32, #tpu.memory_space<vmem>>, vector<256x4096xf32>
    %get3A_2 = arith.constant 0 : index
    %get3A_3 = arith.constant 0 : index
    %get3A_4 = vector.load %arg2[%get3A_2, %get3A_3] : memref<256x4096xf32, #tpu.memory_space<vmem>>, vector<256x4096xf32>
    %mul3A = arith.constant 1.500000e-01 : f32
    %mul3A_5 = vector.broadcast %mul3A : f32 to vector<256x4096xf32>
    %mul3A_6 = arith.mulf %get3A_4, %mul3A_5 : vector<256x4096xf32>
    %add3A = arith.addf %get3A_1, %mul3A_6 : vector<256x4096xf32>
    %get3A_7 = arith.constant 0 : index
    %get3A_8 = vector.load %arg3[%get3A_7] : memref<4096xf32, #tpu.memory_space<vmem>>, vector<4096xf32>
    %broadcast_in_dim3A = vector.shape_cast %get3A_8 : vector<4096xf32> to vector<1x4096xf32>
    %sub3A = vector.broadcast %broadcast_in_dim3A : vector<1x4096xf32> to vector<256x4096xf32>
    %sub3A_9 = arith.subf %add3A, %sub3A : vector<256x4096xf32>
    %get3A_10 = arith.constant 0 : index
    %get3A_11 = vector.load %arg4[%get3A_10] : memref<4096xf32, #tpu.memory_space<vmem>>, vector<4096xf32>
    %broadcast_in_dim3A_12 = vector.shape_cast %get3A_11 : vector<4096xf32> to vector<1x4096xf32>
    %mul3A_13 = vector.broadcast %broadcast_in_dim3A_12 : vector<1x4096xf32> to vector<256x4096xf32>
    %mul3A_14 = arith.mulf %sub3A_9, %mul3A_13 : vector<256x4096xf32>
    %swap3A = arith.constant 0 : index
    %swap3A_15 = arith.constant 0 : index
    %swap3A_16 = vector.load %arg5[%swap3A, %swap3A_15] : memref<256x4096xf32, #tpu.memory_space<vmem>>, vector<256x4096xf32>
    tpu.vector_store %arg5[%swap3A, %swap3A_15], %mul3A_14 {strides = array<i32>} : memref<256x4096xf32, #tpu.memory_space<vmem>>, vector<256x4096xf32>,
    return
  }
  func.func @transform_0(%arg0: i32) -> (i32, i32) {
    %c0_i32 = arith.constant 0 : i32
    %c0_i32_0 = arith.constant 0 : i32
    return %arg0, %c0_i32 : i32, i32
  }
  func.func @transform_1(%arg0: i32) -> (i32, i32) {
    %c0_i32 = arith.constant 0 : i32
    %c0_i32_0 = arith.constant 0 : i32
    return %arg0, %c0_i32 : i32, i32
  }
  func.func @transform_2(%arg0: i32) -> i32 {
    %c0_i32 = arith.constant 0 : i32
    %c0_i32_0 = arith.constant 0 : i32
    return %c0_i32 : i32
  }
  func.func @transform_3(%arg0: i32) -> i32 {
    %c0_i32 = arith.constant 0 : i32
    %c0_i32_0 = arith.constant 0 : i32
    return %c0_i32 : i32
  }
  func.func @transform_4(%arg0: i32) -> (i32, i32) {
    %c0_i32 = arith.constant 0 : i32
    %c0_i32_0 = arith.constant 0 : i32
    return %arg0, %c0_i32 : i32, i32
  }
}

</mosaic_0001>

<sc_bundles>
// kernel: kernel.5.cloned.1.call-start
scs
__scs_entry_jumppad:
0x0: {  	(pc) =	sbr.rel $0x88, $3  }
0x1: {  	(tag) =	ssettag $0x0;
	lr =	simm.s32 $0x1  }
0x2: {  	[smem:$0x3F9E] =	sst lr;
	_ =	strace $0xD0000000  }
0x3: {  	_ = 	snop  }
0x4: {  	_ = 	snop  }
0x5: {  	_ = 	snop  }
0x6: {  	_ = 	snop  }
0x7: {  	_ = 	snop  }
__scs_overlays_trampoline_lowered:
0x8: {  	[smem:$0x3FAD] =	sst s0  }
0x9: {  	[smem:$0x3FAE] =	sst s1  }
0xa: {  	[smem:$0x3FAF] =	sst s2  }
0xb: {  	[smem:$0x3FB0] =	sst s3  }
0xc: {  	[smem:$0x3FB1] =	sst s4  }
0xd: {  	[smem:$0x3FB2] =	sst s5  }
0xe: {  	[smem:$0x3FB3] =	sst s6  }
0xf: {  	[smem:$0x3FB4] =	sst s7  }
0x10: {  	[smem:$0x3FB5] =	sst s8  }
0x11: {  	[smem:$0x3FB6] =	sst s9;
	s0 =	simm.s32 @!p0 $0x0  }
0x12: {  	s1 =	sld [smem:$0x3F9C];
	s0 =	simm.s32 @p0 $0x1  }
0x13: {  	[smem:$0x3FB7] =	sst s0;
	s0 =	simm.s32 @!p1 $0x0  }
0x14: {  	s2 =	sld [smem:$0x3F9B];
	s0 =	simm.s32 @p1 $0x1  }
0x15: {  	[smem:$0x3FB8] =	sst s0;
	s0 =	simm.s32 @!p2 $0x0  }
0x16: {  	s3 =	sld [smem:$0x3FDB];
	s0 =	simm.s32 @p2 $0x1  }
0x17: {  	s4 =	simm.s32 $0x1BF5;
	[smem:$0x3FBA] =	sst s0  }
0x18: {  	s0 =	sld [smem:$0x3F9D];
	_ =	swait.ge [sflag:s4], $0x0  }
0x19: {  	s7 =	sld [smem:$0x3F9E]  }
0x1a: {  	s8 =	sadd.s32 $0xFFFFE003, lr  }
0x1b: {  	s9 =	sadd.s32 $0xFFFFFEF7, lr;
	s5 =	simm.s32 $0xFFFFFFFF;
	p2 =	slt.u32 s8, $0xFFFFF086  }
0x1c: {  	p1 =	slt.u32 s9, $0xF7A;
	s5 =	simm.s32 @!p2 $0x0  }
0x1d: {  	s5 =	simm.s32 @p1 $0x1;
	p0 =	seq.s32 s7, s2  }
0x1e: {  	s7 =	smul.u32 @!p0 $0xF7A, s2;
	p2 =	seq.s32 @!p0 s5, $0x0  }
0x1f: {  	s9 =	smul.u32 $0xF7A, s1;
	s8 =	simm.s32 @!p0 $0x1BF5;
	p2 =	por !p2, p0  }
0x20: {  	[sflag:s8] =	ssyncset.s32 @!p0 $0xFFFFF086;
	s6 =	sadd.s32 @!p0 s3, s7;
	s7 =	simm.s32 @!p0 $0x108  }
0x21: {  	s3 =	sadd.s32 s3, s9;
	s6 =	sadd.s32 @!p0 $0x88, s6;
	s7 =	simm.s32 @p2 $0x1082  }
0x22: {  	[simem:s7], [sflag:s8] =	dma.local @!p0 [hbm:s6], $0xF7A  }
0x23: {  	s9 =	sor.u32 $0xD0000000, s2;
	s6 =	simm.s32 $0x108;
	_ =	swait.ge @!p0 [sflag:s8], $0x0  }
0x24: {  	s3 =	sadd.s32 $0x88, s3;
	s6 =	simm.s32 @!p1 $0x1082;
	[sflag:s4] =	ssyncset.s32 $0xFFFFF086  }
0x25: {  	[simem:s6], [sflag:s4] =	dma.local [hbm:s3], $0xF7A  }
0x26: {  	[smem:$0x3F9E] =	sst s1;
	(tag) =	ssettag s2;
	_ =	strace s9  }
0x27: {  	s1 =	sld [smem:$0x3FAE]  }
0x28: {  	s2 =	sld [smem:$0x3FAF]  }
0x29: {  	s4 =	sld [smem:$0x3FB1]  }
0x2a: {  	p0 =	seq.s32 s5, $0x0;
	s5 =	sld [smem:$0x3FB2]  }
0x2b: {  	s6 =	sld [smem:$0x3FB3]  }
0x2c: {  	s7 =	sld [smem:$0x3FB4]  }
0x2d: {  	s3 =	simm.s32 $0x108;
	s8 =	sld [smem:$0x3FB5]  }
0x2e: {  	s3 =	simm.s32 @!p0 $0x1082;
	s9 =	sld [smem:$0x3FB6]  }
0x2f: {  	lr =	sadd.s32 s0, s3;
	s0 =	sld [smem:$0x3FAD]  }
0x30: {  	s3 =	sld [smem:$0x3FB0]  }
0x31: {  	[smem:$0x3FB9] =	sst s10  }
0x32: {  	s10 =	sld [smem:$0x3FB7];
	_ =	sdelay $0x3  }
0x33: {  	p0 =	seq.s32 s10, $0x1;
	s10 =	sld [smem:$0x3FB9];
	_ =	sdelay $0x3  }
0x34: {  	[smem:$0x3FB9] =	sst s10  }
0x35: {  	s10 =	sld [smem:$0x3FB8];
	_ =	sdelay $0x3  }
0x36: {  	p1 =	seq.s32 s10, $0x1;
	s10 =	sld [smem:$0x3FB9];
	_ =	sdelay $0x3  }
0x37: {  	[smem:$0x3FB9] =	sst s10  }
0x38: {  	s10 =	sld [smem:$0x3FBA]  }
0x39: {  	_ = 	snop;
	(pc) =	sbr.ind lr, $3  }
0x3a: {  	_ = 	snop  }
0x3b: {  	_ = 	snop  }
0x3c: {  	p2 =	seq.s32 s10, $0x1;
	s10 =	sld [smem:$0x3FB9]  }
0x3d: {  	_ =	shalt  }
0x3e: {  	_ =	shalt  }
0x3f: {  	_ =	shalt  }
0x40: {  	_ =	shalt  }
0x41: {  	_ =	shalt  }
0x42: {  	_ =	shalt  }
0x43: {  	_ =	shalt  }
0x44: {  	_ =	shalt  }
0x45: {  	_ =	shalt  }
0x46: {  	_ =	shalt  }
0x47: {  	_ =	shalt  }
0x48: {  	_ =	shalt  }
0x49: {  	_ =	shalt  }
0x4a: {  	_ =	shalt  }
0x4b: {  	_ =	shalt  }
0x4c: {  	_ =	shalt  }
0x4d: {  	_ =	shalt  }
0x4e: {  	_ =	shalt  }
0x4f: {  	_ =	shalt  }
0x50: {  	_ =	shalt  }
0x51: {  	_ =	shalt  }
0x52: {  	_ =	shalt  }
0x53: {  	_ =	shalt  }
0x54: {  	_ =	shalt  }
0x55: {  	_ =	shalt  }
0x56: {  	_ =	shalt  }
0x57: {  	_ =	shalt  }
0x58: {  	_ =	shalt  }
0x59: {  	_ =	shalt  }
0x5a: {  	_ =	shalt  }
0x5b: {  	_ =	shalt  }
0x5c: {  	_ =	shalt  }
0x5d: {  	_ =	shalt  }
0x5e: {  	_ =	shalt  }
0x5f: {  	_ =	shalt  }
0x60: {  	_ =	shalt  }
0x61: {  	_ =	shalt  }
0x62: {  	_ =	shalt  }
0x63: {  	_ =	shalt  }
0x64: {  	_ =	shalt  }
0x65: {  	_ =	shalt  }
0x66: {  	_ =	shalt  }
0x67: {  	_ =	shalt  }
0x68: {  	_ =	shalt  }
0x69: {  	_ =	shalt  }
0x6a: {  	_ =	shalt  }
0x6b: {  	_ =	shalt  }
0x6c: {  	_ =	shalt  }
0x6d: {  	_ =	shalt  }
0x6e: {  	_ =	shalt  }
0x6f: {  	_ =	shalt  }
0x70: {  	_ =	shalt  }
0x71: {  	_ =	shalt  }
0x72: {  	_ =	shalt  }
0x73: {  	_ =	shalt  }
0x74: {  	_ =	shalt  }
0x75: {  	_ =	shalt  }
0x76: {  	_ =	shalt  }
0x77: {  	_ =	shalt  }
0x78: {  	_ =	shalt  }
0x79: {  	_ =	shalt  }
0x7a: {  	_ =	shalt  }
0x7b: {  	_ =	shalt  }
0x7c: {  	_ =	shalt  }
0x7d: {  	_ =	shalt  }
0x7e: {  	_ =	shalt  }
0x7f: {  	_ =	shalt  }
0x80: {  	_ =	shalt  }
0x81: {  	_ =	shalt  }
0x82: {  	_ =	shalt  }
0x83: {  	_ =	shalt  }
0x84: {  	_ =	shalt  }
0x85: {  	_ =	shalt  }
0x86: {  	_ =	shalt  }
0x87: {  	_ =	shalt  }
.Lfunc_end0:
.L_simem_size_0:
called_computation_lowered:
.L_overlay_start_0:
0x88: {  	s2 =	sld [smem:$0x3FD9]  }
0x89: {  	s3 =	sld [smem:$0x3FFE];
	_ =	sdelay $0x1  }
0x8a: {  	s1 =	srdreg.scid  }
0x8b: {  	s0 =	sand.u32 $0x1, s1  }
0x8c: {  	s17 =	sshll.u32 s0, $0xA;
	s2 =	sadd.s32 s3, s2  }
0x8d: {  	s2 =	sadd.s32 s2, s17  }
0x8e: {  	[smem:$0x3FC5] =	sst s2  }
0x8f: {  	_ = 	snop  }
0x90: {  	s2 =	sld [smem:$0x3FC9]  }
0x91: {  	s18 =	sld [smem:$0x3FD0];
	(tm) =	ssettm $0x1  }
0x92: {  	s4 =	sld [smem:$0x3FFB];
	_ =	sdelay $0x3  }
0x93: {  	_ =	strace s4  }
0x94: {  	s4 =	sld [smem:$0x3FFC];
	_ =	sdelay $0x3  }
0x95: {  	_ =	strace s4  }
0x96: {  	s4 =	sld [smem:$0x3FFD];
	_ =	sdelay $0x3  }
0x97: {  	_ =	strace s4  }
0x98: {  	_ =	strace $0x8FFFFFFF  }
0x99: {  	s19 =	sld [smem:$0x3FDB];
	_ =	sdelay $0x1  }
0x9a: {  	s5 =	simm.s32 $_scs_section_size  }
0x9b: {  	s6 =	simm.s32 $_size__tile_overlayer_lowered;
	s7 =	simm.s32 $_tile_overlayer_lowered  }
0x9c: {  	s22 =	simm.s32 $0x1BFF;
	s21 =	sshll.u32 s7, $0x1;
	s4 =	sadd.s32 s5, s19  }
0x9d: {  	s8 =	simm.s32 $0x0;
	s20 =	sshll.u32 s6, $0x1;
	s6 =	sadd.s32 s21, s4  }
0x9e: {  	[timem:s8], [sflag:s22] =	dma.local [hbm:s6], s20  }
0x9f: {  	_ =	swait.ge [sflag:s22], s20  }
0xa0: {  	s5 =	ssub.s32 $0x0, s20;
	[sflag:s22] =	ssyncset.done $0x0  }
0xa1: {  	[sflag:s22] =	ssyncadd.s32 s5;
	_ =	sdelay $0x1  }
0xa2: {  	s23 =	simm.s32 $0x1B8B  }
0xa3: {  	_ =	swait.ge [sflag:s23], $0x1  }
0xa4: {  	[sflag:s23] =	ssyncset.done $0x0  }
0xa5: {  	s25 =	simm.s32 $0x1B8E;
	s24 =	sld [smem:$0x3FFE];
	[sflag:s23] =	ssyncadd.s32 $0xFFFFFFFF  }
0xa6: {  	s26 =	simm.s32 $execute0_lowered;
	[smem:$0x3FD2] =	sst s25  }
0xa7: {  	s6 =	sshll.u32 s26, $0x1;
	_ =	strace $0x80000046;
	[dreg:$0x1] =	wrdreg $0xFFFFFFFF  }
0xa8: {  	s28 =	simm.s32 $_size_execute0_lowered;
	s4 =	sadd.s32 s4, s6;
	[dreg:$0x0] =	wrdreg $0x0  }
0xa9: {  	s6 =	sshll.u32 s28, $0x1;
	[dreg:$0x2] =	wrdreg s4  }
0xaa: {  	[dreg:$0x3] =	wrdreg s6  }
0xab: {  	[dreg:$0x4] =	wrdreg $0xC0  }
0xac: {  	_ =	task [dreg:s8], $0x5FFFF  }
0xad: {  	[dreg:$0x1] =	wrdreg $0xFFFFFFFF  }
0xae: {  	[dreg:$0x0] =	wrdreg $0x60  }
0xaf: {  	[dreg:$0x2] =	wrdreg s2  }
0xb0: {  	[dreg:$0x3] =	wrdreg s24  }
0xb1: {  	[dreg:$0x4] =	wrdreg s18  }
0xb2: {  	[dreg:$0x5] =	wrdreg $0x9  }
0xb3: {  	_ =	task.clear_ibuf [dreg:s8], $0x6FFFF;
	_ =	strace $0x90000046  }
0xb4: {  	s29 =	simm.s32 $0x9;
	_ =	strace $0x80000048  }
0xb5: {  	_ =	swait.ge [sflag:s29], $0x1  }
0xb6: {  	[sflag:s29] =	ssyncadd.s32 $0xFFFFFFFF  }
0xb7: {  	_ =	strace $0x90000048  }
0xb8: {  	_ =	sfence  }
0xb9: {  	s30 =	sld [smem:$0x0];
	_ =	sdelay $0x2  }
0xba: {  	s31 =	sshll.u32 s1, $0xD;
	s1 =	sshrl.u32 s1, $0x2  }
0xbb: {  	s3 =	sand.u32 $0x4000, s31;
	s1 =	sadd.s32 s1, s30  }
0xbc: {  	s0 =	sor.u32 s3, s0;
	s1 =	sshll.u32 s1, $0x11  }
0xbd: {  	s0 =	sor.u32 s1, s0  }
0xbe: {  	s0 =	sadd.s32 $0x8F2B, s0  }
0xbf: {  	[sflag:s0] =	ssyncadd.remote.s32 $0x1  }
0xc0: {  	_ =	sfence.sel $0xFFFF  }
0xc1: {  	[dreg:$0x0] =	wrdreg $0xFFFFFFFF;
	(pc) =	sbr.abs _section_cstart, $3  }
0xc2: {  	[dreg:$0x1] =	wrdreg $0xFFFFFFFF  }
0xc3: {  	_ =	task.clear_ibuf [dreg:s8], $0x2FFFF;
	_ =	strace $0x9FFFFFFF  }
0xc4: {  	(tm) =	ssettm $0x7FFFFFFF  }
0xc5: {  	_ =	shalt  }
tec
execute0_lowered:
.L_overlay_start_1:
0x0: {  	(tag) =	ssettag $0x1  }
0x1: {  	s1 =	rddreg [dreg:$0x0]  }
0x2: {  	s2 =	srdreg.scid;
	s4 =	rddreg [dreg:$0x1]  }
0x3: {  	s0 =	stileid.u32;
	s5 =	rddreg [dreg:$0x2]  }
0x4: {  	s9 =	simm.s32 $0xA00;
	s2 =	sand.u32 $0x1, s2;
	s3 =	sshll.u32 s0, $0x1  }
0x5: {  	s10 =	simm.s32 $0x1200;
	s6 =	sor.u32 s2, s3;
	s3 =	simm.s32 $0x0  }
0x6: {  	s11 =	simm.s32 $0x1A00;
	s12 =	simm.s32 $0x2200;
	[smem:$0x7FF] =	sst s3  }
0x7: {  	s13 =	simm.s32 $0x2A00;
	_ =	strace $0x80000047;
	[dreg:$0x8] =	wrdreg s9  }
0x8: {  	s14 =	simm.s32 $0x3200;
	s15 =	simm.s32 $0x3A00;
	[dreg:$0x9] =	wrdreg s10  }
0x9: {  	s16 =	simm.s32 $0x4A00;
	s18 =	simm.s32 $0x5200;
	[dreg:$0xa] =	wrdreg s11  }
0xa: {  	s19 =	simm.s32 $0x5A00;
	s20 =	simm.s32 $0x6200;
	[dreg:$0xb] =	wrdreg s12  }
0xb: {  	s21 =	simm.s32 $0xA200;
	s22 =	simm.s32 $0xAA00;
	[dreg:$0xc] =	wrdreg s13  }
0xc: {  	s23 =	simm.s32 $0xB200;
	s24 =	simm.s32 $0xBA00;
	[dreg:$0xd] =	wrdreg s14  }
0xd: {  	s25 =	simm.s32 $0xCA00;
	s26 =	simm.s32 $0xD200;
	[dreg:$0xe] =	wrdreg s15  }
0xe: {  	s28 =	simm.s32 $0x4;
	s29 =	simm.s32 $0x5;
	[dreg:$0xf] =	wrdreg s16  }
0xf: {  	s30 =	simm.s32 $0x6;
	s31 =	simm.s32 $0x7;
	[dreg:$0x10] =	wrdreg s18  }
0x10: {  	s2 =	ssub.s32 $0x2, s2;
	s7 =	sshll.u32 s6, $0x6;
	[dreg:$0x11] =	wrdreg s19  }
0x11: {  	s6 =	sshll.u32 s6, $0xD;
	s17 =	sshrl.u32 s2, $0x1;
	[dreg:$0x12] =	wrdreg s20  }
0x12: {  	s4 =	sadd.s32 s7, s4;
	s2 =	ssub.s32 s2, s17;
	[dreg:$0x19] =	wrdreg s21  }
0x13: {  	s9 =	simm.s32 $0x7200;
	s10 =	simm.s32 $0x7A00;
	[dreg:$0x1a] =	wrdreg s22  }
0x14: {  	s11 =	simm.s32 $0x8A00;
	s12 =	simm.s32 $0x9200;
	[dreg:$0x1b] =	wrdreg s23  }
0x15: {  	s13 =	simm.s32 $0x9A00;
	s14 =	simm.s32 $0x200;
	[dreg:$0x1c] =	wrdreg s24  }
0x16: {  	s15 =	simm.s32 $0x4200;
	s16 =	simm.s32 $0x8200;
	[dreg:$0x1d] =	wrdreg s25  }
0x17: {  	s17 =	simm.s32 $0xC200;
	[dreg:$0x1e] =	wrdreg s26;
	s19 =	simm.s32 $0xE200  }
0x18: {  	s20 =	simm.s32 $0xEA00;
	s21 =	simm.s32 $0xF200;
	s22 =	simm.s32 $0xFA00  }
0x19: {  	s23 =	simm.s32 $0x1;
	s24 =	simm.s32 $0x400;
	[dreg:$0x14] =	wrdreg s9  }
0x1a: {  	s25 =	simm.s32 $0x2;
	s26 =	simm.s32 $0x3;
	[dreg:$0x15] =	wrdreg s10  }
0x1b: {  	s7 =	sadd.s32 $0xA00, s4;
	s4 =	sadd.s32 s5, s6;
	[dreg:$0x16] =	wrdreg s11  }
0x1c: {  	s6 =	sadd.s32 $0x400, s1;
	s9 =	sadd.s32 $0xA00, s1;
	[dreg:$0x17] =	wrdreg s12  }
0x1d: {  	s10 =	sadd.s32 $0xC00, s1;
	s11 =	sadd.s32 $0xE00, s1;
	[dreg:$0x18] =	wrdreg s13  }
0x1e: {  	s12 =	smax.u32 s2, $0x1;
	[dreg:$0x4] =	wrdreg s7;
	s5 =	sadd.s32 $0x40, s4  }
0x1f: {  	s13 =	simm.s32 $0x9;
	s7 =	sadd.s32 $0x1000, s4;
	[dreg:$0x5] =	wrdreg s5  }
0x20: {  	v0 =	vlaneseq.u32;
	s2 =	simm.s32 $0x8;
	s8 =	sadd.s32 $0x1040, s4;
	[dreg:$0x6] =	wrdreg s7  }
0x21: {  	v1 =	vshrl.u32 v0, $0x2;
	[dreg:$0x7] =	wrdreg s8;
	s5 =	sadd.s32 $0x200, s1;
	s8 =	simm.s32 $0x6A00  }
0x22: {  	vm0 =	vmmov $0xffff;
	v0 =	vand.u32 $0x3, v0;
	v1 =	vmul.u32 $0x8, v1;
	s7 =	sadd.s32 $0x600, s1;
	[dreg:$0x13] =	wrdreg s8;
	s8 =	sadd.s32 $0x800, s1  }
.LBB2_1:
0x23: {  	s0 =	rddreg [dreg:$0x4]  }
0x24: {  	[tilespmem:s3], [sflag:$0x9] =	stream.linear.gather [hbm4b:s0+s3], $0x200, $0x38;
	[tilespmem:$0x10200] =	vst v63  }
0x25: {  	_ =	swait.ge [sflag:s13], $0x200  }
0x26: {  	[sflag:s13] =	ssyncset.done $0x0  }
0x27: {  	[sflag:s13] =	ssyncadd.s32 $0xFFFFFE00  }
0x28: {  	v2 =	vld.msk [tilespmem:$0x0], $0xf;
	_ =	sdelay $0x4  }
0x29: {  	v3 =	vshll.u32 v2, $0x5  }
0x2a: {  	v2 =	vand.u32 $0x7, v2;
	v3 =	vand.u32 $0xFFFFFF00, v3  }
0x2b: {  	v2 =	vor.u32 v2, v3  }
0x2c: {  	v2 =	vperm.xlane v2, v0;
	_ =	sdelay $0x1  }
0x2d: {  	v2 =	vadd.s32 v1, v2;
	_ =	sdelay $0x4  }
0x2e: {  	[tilespmem:s14], [sflag:$0x1] =	stream.indirect_vreg.gather [hbm4b:s1+s3], $0x80, v2, vm0, $0xb8;
	[tilespmem:$0x10200] =	vst v63  }
0x2f: {  	s0 =	rddreg [dreg:$0x8]  }
0x30: {  	[tilespmem:s0], [sflag:$0x1] =	stream.indirect_vreg.gather [hbm4b:s5+s3], $0x80, v2, vm0, $0xb8;
	[tilespmem:$0x10200] =	vst v63  }
0x31: {  	s18 =	rddreg [dreg:$0x9]  }
0x32: {  	[tilespmem:s18], [sflag:$0x1] =	stream.indirect_vreg.gather [hbm4b:s6+s3], $0x80, v2, vm0, $0xb8;
	[tilespmem:$0x10200] =	vst v63  }
0x33: {  	s0 =	rddreg [dreg:$0xa]  }
0x34: {  	[tilespmem:s0], [sflag:$0x1] =	stream.indirect_vreg.gather [hbm4b:s7+s3], $0x80, v2, vm0, $0xb8;
	[tilespmem:$0x10200] =	vst v63  }
0x35: {  	s18 =	rddreg [dreg:$0xb]  }
0x36: {  	[tilespmem:s18], [sflag:$0x1] =	stream.indirect_vreg.gather [hbm4b:s8+s3], $0x80, v2, vm0, $0xb8;
	[tilespmem:$0x10200] =	vst v63  }
0x37: {  	s0 =	rddreg [dreg:$0xc]  }
0x38: {  	[tilespmem:s0], [sflag:$0x1] =	stream.indirect_vreg.gather [hbm4b:s9+s3], $0x80, v2, vm0, $0xb8;
	[tilespmem:$0x10200] =	vst v63  }
0x39: {  	s18 =	rddreg [dreg:$0xd]  }
0x3a: {  	[tilespmem:s18], [sflag:$0x1] =	stream.indirect_vreg.gather [hbm4b:s10+s3], $0x80, v2, vm0, $0xb8;
	[tilespmem:$0x10200] =	vst v63  }
0x3b: {  	s0 =	rddreg [dreg:$0xe]  }
0x3c: {  	[tilespmem:s0], [sflag:$0x1] =	stream.indirect_vreg.gather [hbm4b:s11+s3], $0x80, v2, vm0, $0xb8;
	[tilespmem:$0x10200] =	vst v63  }
0x3d: {  	v2 =	vld.msk [tilespmem:$0x80], $0xf;
	_ =	sdelay $0x4  }
0x3e: {  	v3 =	vshll.u32 v2, $0x5  }
0x3f: {  	v2 =	vand.u32 $0x7, v2;
	v3 =	vand.u32 $0xFFFFFF00, v3  }
0x40: {  	v2 =	vor.u32 v2, v3  }
0x41: {  	v2 =	vperm.xlane v2, v0;
	_ =	sdelay $0x1  }
0x42: {  	v2 =	vadd.s32 v1, v2;
	_ =	sdelay $0x4  }
0x43: {  	[tilespmem:s15], [sflag:$0x2] =	stream.indirect_vreg.gather [hbm4b:s1+s3], $0x80, v2, vm0, $0xb8;
	[tilespmem:$0x10200] =	vst v63  }
0x44: {  	s0 =	rddreg [dreg:$0xf]  }
0x45: {  	[tilespmem:s0], [sflag:$0x2] =	stream.indirect_vreg.gather [hbm4b:s5+s3], $0x80, v2, vm0, $0xb8;
	[tilespmem:$0x10200] =	vst v63  }
0x46: {  	s18 =	rddreg [dreg:$0x10]  }
0x47: {  	[tilespmem:s18], [sflag:$0x2] =	stream.indirect_vreg.gather [hbm4b:s6+s3], $0x80, v2, vm0, $0xb8;
	[tilespmem:$0x10200] =	vst v63  }
0x48: {  	s0 =	rddreg [dreg:$0x11]  }
0x49: {  	[tilespmem:s0], [sflag:$0x2] =	stream.indirect_vreg.gather [hbm4b:s7+s3], $0x80, v2, vm0, $0xb8;
	[tilespmem:$0x10200] =	vst v63  }
0x4a: {  	s18 =	rddreg [dreg:$0x12]  }
0x4b: {  	[tilespmem:s18], [sflag:$0x2] =	stream.indirect_vreg.gather [hbm4b:s8+s3], $0x80, v2, vm0, $0xb8;
	[tilespmem:$0x10200] =	vst v63  }
0x4c: {  	s0 =	rddreg [dreg:$0x13]  }
0x4d: {  	[tilespmem:s0], [sflag:$0x2] =	stream.indirect_vreg.gather [hbm4b:s9+s3], $0x80, v2, vm0, $0xb8;
	[tilespmem:$0x10200] =	vst v63  }
0x4e: {  	s18 =	rddreg [dreg:$0x14]  }
0x4f: {  	[tilespmem:s18], [sflag:$0x2] =	stream.indirect_vreg.gather [hbm4b:s10+s3], $0x80, v2, vm0, $0xb8;
	[tilespmem:$0x10200] =	vst v63  }
0x50: {  	s0 =	rddreg [dreg:$0x15]  }
0x51: {  	[tilespmem:s0], [sflag:$0x2] =	stream.indirect_vreg.gather [hbm4b:s11+s3], $0x80, v2, vm0, $0xb8;
	[tilespmem:$0x10200] =	vst v63  }
0x52: {  	v2 =	vld.msk [tilespmem:$0x100], $0xf;
	_ =	sdelay $0x4  }
0x53: {  	v3 =	vshll.u32 v2, $0x5  }
0x54: {  	v2 =	vand.u32 $0x7, v2;
	v3 =	vand.u32 $0xFFFFFF00, v3  }
0x55: {  	v2 =	vor.u32 v2, v3  }
0x56: {  	v2 =	vperm.xlane v2, v0;
	_ =	sdelay $0x1  }
0x57: {  	v2 =	vadd.s32 v1, v2;
	_ =	sdelay $0x4  }
0x58: {  	[tilespmem:s16], [sflag:$0x3] =	stream.indirect_vreg.gather [hbm4b:s1+s3], $0x80, v2, vm0, $0xb8;
	[tilespmem:$0x10200] =	vst v63  }
0x59: {  	s0 =	rddreg [dreg:$0x16]  }
0x5a: {  	[tilespmem:s0], [sflag:$0x3] =	stream.indirect_vreg.gather [hbm4b:s5+s3], $0x80, v2, vm0, $0xb8;
	[tilespmem:$0x10200] =	vst v63  }
0x5b: {  	s18 =	rddreg [dreg:$0x17]  }
0x5c: {  	[tilespmem:s18], [sflag:$0x3] =	stream.indirect_vreg.gather [hbm4b:s6+s3], $0x80, v2, vm0, $0xb8;
	[tilespmem:$0x10200] =	vst v63  }
0x5d: {  	s0 =	rddreg [dreg:$0x18]  }
0x5e: {  	[tilespmem:s0], [sflag:$0x3] =	stream.indirect_vreg.gather [hbm4b:s7+s3], $0x80, v2, vm0, $0xb8;
	[tilespmem:$0x10200] =	vst v63  }
0x5f: {  	s18 =	rddreg [dreg:$0x19]  }
0x60: {  	[tilespmem:s18], [sflag:$0x3] =	stream.indirect_vreg.gather [hbm4b:s8+s3], $0x80, v2, vm0, $0xb8;
	[tilespmem:$0x10200] =	vst v63  }
0x61: {  	s0 =	rddreg [dreg:$0x1a]  }
0x62: {  	[tilespmem:s0], [sflag:$0x3] =	stream.indirect_vreg.gather [hbm4b:s9+s3], $0x80, v2, vm0, $0xb8;
	[tilespmem:$0x10200] =	vst v63  }
0x63: {  	s18 =	rddreg [dreg:$0x1b]  }
0x64: {  	[tilespmem:s18], [sflag:$0x3] =	stream.indirect_vreg.gather [hbm4b:s10+s3], $0x80, v2, vm0, $0xb8;
	[tilespmem:$0x10200] =	vst v63  }
0x65: {  	s0 =	rddreg [dreg:$0x1c]  }
0x66: {  	[tilespmem:s0], [sflag:$0x3] =	stream.indirect_vreg.gather [hbm4b:s11+s3], $0x80, v2, vm0, $0xb8;
	[tilespmem:$0x10200] =	vst v63  }
0x67: {  	v2 =	vld.msk [tilespmem:$0x180], $0xf;
	_ =	sdelay $0x4  }
0x68: {  	v3 =	vshll.u32 v2, $0x5  }
0x69: {  	v2 =	vand.u32 $0x7, v2;
	v3 =	vand.u32 $0xFFFFFF00, v3  }
0x6a: {  	v2 =	vor.u32 v2, v3  }
0x6b: {  	v2 =	vperm.xlane v2, v0;
	_ =	sdelay $0x1  }
0x6c: {  	v2 =	vadd.s32 v1, v2;
	_ =	sdelay $0x4  }
0x6d: {  	[tilespmem:s17], [sflag:$0x4] =	stream.indirect_vreg.gather [hbm4b:s1+s3], $0x80, v2, vm0, $0xb8;
	[tilespmem:$0x10200] =	vst v63  }
0x6e: {  	s0 =	rddreg [dreg:$0x1d]  }
0x6f: {  	[tilespmem:s0], [sflag:$0x4] =	stream.indirect_vreg.gather [hbm4b:s5+s3], $0x80, v2, vm0, $0xb8;
	[tilespmem:$0x10200] =	vst v63  }
0x70: {  	s18 =	rddreg [dreg:$0x1e]  }
0x71: {  	[tilespmem:s18], [sflag:$0x4] =	stream.indirect_vreg.gather [hbm4b:s6+s3], $0x80, v2, vm0, $0xb8;
	[tilespmem:$0x10200] =	vst v63  }
0x72: {  	s18 =	simm.s32 $0xDA00  }
0x73: {  	[tilespmem:s18], [sflag:$0x4] =	stream.indirect_vreg.gather [hbm4b:s7+s3], $0x80, v2, vm0, $0xb8;
	[tilespmem:$0x10200] =	vst v63  }
0x74: {  	_ = 	snop  }
0x75: {  	[tilespmem:s19], [sflag:$0x4] =	stream.indirect_vreg.gather [hbm4b:s8+s3], $0x80, v2, vm0, $0xb8;
	[tilespmem:$0x10200] =	vst v63  }
0x76: {  	_ = 	snop  }
0x77: {  	[tilespmem:s20], [sflag:$0x4] =	stream.indirect_vreg.gather [hbm4b:s9+s3], $0x80, v2, vm0, $0xb8;
	[tilespmem:$0x10200] =	vst v63  }
0x78: {  	_ = 	snop  }
0x79: {  	[tilespmem:s21], [sflag:$0x4] =	stream.indirect_vreg.gather [hbm4b:s10+s3], $0x80, v2, vm0, $0xb8;
	[tilespmem:$0x10200] =	vst v63  }
0x7a: {  	_ = 	snop  }
0x7b: {  	[tilespmem:s22], [sflag:$0x4] =	stream.indirect_vreg.gather [hbm4b:s11+s3], $0x80, v2, vm0, $0xb8;
	[tilespmem:$0x10200] =	vst v63  }
0x7c: {  	_ =	swait.ge [sflag:s23], $0x4000  }
0x7d: {  	[sflag:s23] =	ssyncset.done $0x0  }
0x7e: {  	[sflag:s23] =	ssyncadd.s32 $0xFFFFC000  }
0x7f: {  	[hbm4b:s4+s14] =	stream.strided.scatter [tilespmem:s14], [sflag:$0x5], $0x4000, s24, s14, $0x38;
	[tilespmem:$0x10200] =	vst v63  }
0x80: {  	_ =	swait.ge [sflag:s25], $0x4000  }
0x81: {  	[sflag:s25] =	ssyncset.done $0x0  }
0x82: {  	s18 =	rddreg [dreg:$0x5];
	[sflag:s25] =	ssyncadd.s32 $0xFFFFC000  }
0x83: {  	[hbm4b:s18+s14] =	stream.strided.scatter [tilespmem:s15], [sflag:$0x6], $0x4000, s24, s14, $0x38;
	[tilespmem:$0x10200] =	vst v63  }
0x84: {  	_ =	swait.ge [sflag:s26], $0x4000  }
0x85: {  	[sflag:s26] =	ssyncset.done $0x0  }
0x86: {  	s18 =	rddreg [dreg:$0x6];
	[sflag:s26] =	ssyncadd.s32 $0xFFFFC000  }
0x87: {  	[hbm4b:s18+s14] =	stream.strided.scatter [tilespmem:s16], [sflag:$0x7], $0x4000, s24, s14, $0x38;
	[tilespmem:$0x10200] =	vst v63  }
0x88: {  	_ =	swait.ge [sflag:s28], $0x4000  }
0x89: {  	[sflag:s28] =	ssyncset.done $0x0  }
0x8a: {  	s18 =	rddreg [dreg:$0x7];
	[sflag:s28] =	ssyncadd.s32 $0xFFFFC000  }
0x8b: {  	[hbm4b:s18+s14] =	stream.strided.scatter [tilespmem:s17], [sflag:$0x8], $0x4000, s24, s14, $0x38;
	[tilespmem:$0x10200] =	vst v63  }
0x8c: {  	_ =	swait.ge [sflag:s29], $0x4000  }
0x8d: {  	[sflag:s29] =	ssyncset.done $0x0  }
0x8e: {  	[sflag:s29] =	ssyncadd.s32 $0xFFFFC000  }
0x8f: {  	_ =	swait.ge [sflag:s30], $0x4000  }
0x90: {  	[sflag:s30] =	ssyncset.done $0x0  }
0x91: {  	[sflag:s30] =	ssyncadd.s32 $0xFFFFC000  }
0x92: {  	p0 =	sne.s32 s12, $0x1;
	_ =	swait.ge [sflag:s31], $0x4000  }
.Ltmp0:
0x93: {  	[sflag:s31] =	ssyncset.done $0x0;
	(pc) =	sbr.rel @p0 .LBB2_1-.Ltmp0, $4  }
0x94: {  	[sflag:s31] =	ssyncadd.s32 $0xFFFFC000  }
0x95: {  	_ =	swait.ge [sflag:s2], $0x4000  }
0x96: {  	[sflag:s2] =	ssyncset.done $0x0  }
0x97: {  	s12 =	sadd.s32 $0xFFFFFFFF, s12;
	[sflag:s2] =	ssyncadd.s32 $0xFFFFC000  }
0x98: {  	_ =	sfence.sel $0x180000  }
0x99: {  	[bflag:$0x0] =	sbarrier.arrive $0xFFFF  }
0x9a: {  	_ =	strace $0x90000047  }
0x9b: {  	s0 =	stileid.u32;
	[bflag:$0x2] =	sbarrier.arrive $0xFFFF  }
0x9c: {  	p0 =	sne.s32 s0, $0x0;
	s0 =	rddreg [dreg:$0x3]  }
0x9d: {  	s0 =	sadd.s32 @!p0 $0x100000, s0  }
0x9e: {  	[sflag:s0] =	ssyncadd.tile.s32 @!p0 $0x1;
	_ =	shalt  }
.Lfunc_end2:
_tile_overlayer_lowered:
.L_overlay_start_2:
0x9f: {  	(tag) =	ssettag $0x2  }
0xa0: {  	s0 =	rddreg [dreg:$0x0];
	s2 =	stileid.u32  }
0xa1: {  	s1 =	rddreg [dreg:$0x1];
	p0 =	sne.s32 s2, $0x0  }
0xa2: {  	s3 =	rddreg [dreg:$0x2];
	[bflag:$0x3] =	sbarrier.arrive $0xFFFF;
	s2 =	simm.s32 @!p0 $0x1C09  }
0xa3: {  	[timem:s3], [sflag:s2] =	dma.local @!p0 [hbm:s0], s1  }
0xa4: {  	s0 =	simm.s32 @!p0 $0x9  }
0xa5: {  	_ =	swait.ge @!p0 [sflag:s0], s1  }
0xa6: {  	s1 =	ssub.s32 @!p0 $0x0, s1;
	[sflag:s0] =	ssyncset.done @!p0 $0x0  }
0xa7: {  	[sflag:s0] =	ssyncadd.s32 @!p0 s1  }
0xa8: {  	[bflag:$0x3] =	sbarrier.arrive $0xFFFF  }
0xa9: {  	_ =	shalt  }

</sc_bundles>
